<compile_context>
chip_gen: v7x
topology: tpu7x:2x2x1
jax: 0.10.2.dev20260603
libtpu: 0.0.44.dev20260713+nightly
codegen_flags: <defaults>
</compile_context>

<pallas_src>
import jax
import jax.numpy as jnp
from jax.experimental import pallas as pl
from jax.experimental.pallas import tpu as pltpu

DICT_LEN = 128
SEQ_LEN, BZ, D_MODEL, HIDDEN = 8192, 4, 768, 256
TILE_S = 512


def _switcher_kernel(gid_ref, x_ref, w1_ref, b1_ref, w2_ref, b2_ref, o_ref):
    for b in range(BZ):
        g = gid_ref[b]
        x = x_ref[:, b * D_MODEL:(b + 1) * D_MODEL]
        h = jnp.dot(x, w1_ref[g], preferred_element_type=jnp.float32)
        h = h + b1_ref[g]
        h = 0.5 * h * (1.0 + jax.lax.erf(h * 0.7071067811865476))
        out = jnp.dot(h, w2_ref[g], preferred_element_type=jnp.float32)
        o_ref[:, b * D_MODEL:(b + 1) * D_MODEL] = out + b2_ref[g]


def kernel(x, lang_ids, w1_0, b1_0, w2_0, b2_0, w1_1, b1_1, w2_1, b2_1):
    gid = (DICT_LEN - 1 - lang_ids.astype(jnp.int32) <= 3).astype(jnp.int32)
    w1 = jnp.stack([w1_0.T, w1_1.T])
    b1 = jnp.stack([b1_0, b1_1])[:, None, :]
    w2 = jnp.stack([w2_0.T, w2_1.T])
    b2 = jnp.stack([b2_0, b2_1])[:, None, :]
    xf = x.reshape(SEQ_LEN, BZ * D_MODEL)
    grid = (SEQ_LEN // TILE_S,)
    out = pl.pallas_call(
        _switcher_kernel,
        grid_spec=pltpu.PrefetchScalarGridSpec(
            num_scalar_prefetch=1,
            grid=grid,
            in_specs=[
                pl.BlockSpec((TILE_S, BZ * D_MODEL), lambda s, g: (s, 0)),
                pl.BlockSpec((2, D_MODEL, HIDDEN), lambda s, g: (0, 0, 0)),
                pl.BlockSpec((2, 1, HIDDEN), lambda s, g: (0, 0, 0)),
                pl.BlockSpec((2, HIDDEN, D_MODEL), lambda s, g: (0, 0, 0)),
                pl.BlockSpec((2, 1, D_MODEL), lambda s, g: (0, 0, 0)),
            ],
            out_specs=pl.BlockSpec((TILE_S, BZ * D_MODEL), lambda s, g: (s, 0)),
        ),
        out_shape=jax.ShapeDtypeStruct(xf.shape, xf.dtype),
        compiler_params=pltpu.CompilerParams(
            dimension_semantics=("arbitrary",),
        ),
    )(gid, xf, w1, b1, w2, b2)
    return out.reshape(SEQ_LEN, BZ, D_MODEL)

# --- scband reference (transcript-rebuilt; emitter-appended) ---
"""Pipeline reference for scband-switcher-23570780520756 (READ-ONLY COPY).

The authoritative reference and input builder live on the scoring server;
editing this copy changes nothing except your own understanding.
"""

import jax, jax.numpy as jnp
import numpy as np

DICT_LEN = 128
SEQ_LEN, BZ, D_MODEL, HIDDEN = 8192, 4, 768, 256


def setup_inputs(seed: int = 0) -> dict:
    key = jax.random.key(seed)
    ks = jax.random.split(key, 8)
    x = jax.random.normal(ks[0], (SEQ_LEN, BZ, D_MODEL), dtype=jnp.float32)
    lang_ids = jax.random.randint(ks[1], (BZ,), 0, DICT_LEN, dtype=jnp.int64)
    def lin_w(k, out_d, in_d):
        # mimic nn.Linear init scale (uniform +- 1/sqrt(in_d))
        bound = 1.0 / np.sqrt(in_d)
        return jax.random.uniform(k, (out_d, in_d), jnp.float32, -bound, bound)
    w1_0 = lin_w(ks[2], HIDDEN, D_MODEL)
    b1_0 = jax.random.uniform(ks[3], (HIDDEN,), jnp.float32, -1.0/np.sqrt(D_MODEL), 1.0/np.sqrt(D_MODEL))
    w2_0 = lin_w(ks[4], D_MODEL, HIDDEN)
    b2_0 = jax.random.uniform(ks[5], (D_MODEL,), jnp.float32, -1.0/np.sqrt(HIDDEN), 1.0/np.sqrt(HIDDEN))
    w1_1 = lin_w(ks[6], HIDDEN, D_MODEL)
    b1_1 = jnp.zeros((HIDDEN,), jnp.float32)
    w2_1 = lin_w(ks[7], D_MODEL, HIDDEN)
    b2_1 = jnp.zeros((D_MODEL,), jnp.float32)
    return {"x": x, "lang_ids": lang_ids,
            "w1_0": w1_0, "b1_0": b1_0, "w2_0": w2_0, "b2_0": b2_0,
            "w1_1": w1_1, "b1_1": b1_1, "w2_1": w2_1, "b2_1": b2_1}


def reference(x, lang_ids, w1_0, b1_0, w2_0, b2_0, w1_1, b1_1, w2_1, b2_1):
    # lang_ids = dict_len - 1 - lang_ids; group = (lang_ids <= 3)
    lid = DICT_LEN - 1 - lang_ids
    group = (lid <= 3).astype(jnp.int32)  # [BZ]
    experts = [(w1_0, b1_0, w2_0, b2_0), (w1_1, b1_1, w2_1, b2_1)]
    for ind in range(2):
        w1, b1, w2, b2 = experts[ind]
        mask = (group == ind)  # [BZ]
        # torch gathers selected batch columns, applies MLP, scatters back.
        # Equivalent dense-masked form (group sets are disjoint):
        h = jax.nn.gelu(jnp.einsum('sbd,hd->sbh', x, w1) + b1, approximate=False)
        out = jnp.einsum('sbh,dh->sbd', h, w2) + b2
        x = jnp.where(mask[None, :, None], out, x)
    return x

if __name__ == "__main__":
    import jax
    _d = setup_inputs()
    print(jax.jit(kernel)(*tuple(_d.values())))

</pallas_src>

<mosaic_0001>
module attributes {stable_mosaic.version = 14 : i64} {
  func.func @_switcher_kernel(%arg0: i32, %arg1: memref<4xi32, #tpu.memory_space<smem>>, %arg2: memref<512x3072xf32, #tpu.memory_space<vmem>>, %arg3: memref<2x768x256xf32, #tpu.memory_space<vmem>>, %arg4: memref<2x1x256xf32, #tpu.memory_space<vmem>>, %arg5: memref<2x256x768xf32, #tpu.memory_space<vmem>>, %arg6: memref<2x1x768xf32, #tpu.memory_space<vmem>>, %arg7: memref<512x3072xf32, #tpu.memory_space<vmem>>) attributes {dimension_semantics = [#tpu.dimension_semantics<arbitrary>], iteration_bounds = array<i64: 16>, scalar_prefetch = 1 : i64, scratch_operands = 0 : i64, tpu.core_type = #tpu.core_type<tc>, window_params = [{transform_indices = @transform_0, window_bounds = array<i64: 512, 3072>}, {pipeline_mode = #tpu.pipeline_mode<synchronous>, transform_indices = @transform_1, window_bounds = array<i64: 2, 768, 256>}, {pipeline_mode = #tpu.pipeline_mode<synchronous>, transform_indices = @transform_2, window_bounds = array<i64: 2, 1, 256>}, {pipeline_mode = #tpu.pipeline_mode<synchronous>, transform_indices = @transform_3, window_bounds = array<i64: 2, 256, 768>}, {pipeline_mode = #tpu.pipeline_mode<synchronous>, transform_indices = @transform_4, window_bounds = array<i64: 2, 1, 768>}, {transform_indices = @transform_5, window_bounds = array<i64: 512, 3072>}]} {
    %get3A = arith.constant 0 : index
    %get3A_0 = memref.load %arg1[%get3A] : memref<4xi32, #tpu.memory_space<smem>>
    %get3A_1 = arith.constant 0 : index
    %get3A_2 = arith.constant 0 : index
    %get3A_3 = vector.load %arg2[%get3A_1, %get3A_2] : memref<512x3072xf32, #tpu.memory_space<vmem>>, vector<512x768xf32>
    %get3A_4 = arith.index_cast %get3A_0 : i32 to index
    %get3A_5 = arith.constant 0 : index
    %get3A_6 = arith.constant 0 : index
    %get3A_7 = vector.load %arg3[%get3A_4, %get3A_5, %get3A_6] : memref<2x768x256xf32, #tpu.memory_space<vmem>>, vector<1x768x256xf32>
    %get3A_8 = vector.shape_cast %get3A_7 : vector<1x768x256xf32> to vector<768x256xf32>
    %dot_general3A = arith.constant dense<0.000000e+00> : vector<512x256xf32>
    %dot_general3A_9 = tpu.matmul %get3A_3, %get3A_8, %dot_general3A {dimension_numbers = #tpu.dot_dimension_numbers<[1], [0], [0], [1], [0, 0, 1, 1], [], []>, transpose_lhs_hint = false} : vector<512x768xf32>, vector<768x256xf32>, vector<512x256xf32> -> vector<512x256xf32>
    %get3A_10 = arith.index_cast %get3A_0 : i32 to index
    %get3A_11 = arith.constant 0 : index
    %get3A_12 = arith.constant 0 : index
    %get3A_13 = vector.load %arg4[%get3A_10, %get3A_11, %get3A_12] : memref<2x1x256xf32, #tpu.memory_space<vmem>>, vector<1x1x256xf32>
    %get3A_14 = vector.shape_cast %get3A_13 : vector<1x1x256xf32> to vector<1x256xf32>
    %add3A = vector.broadcast %get3A_14 : vector<1x256xf32> to vector<512x256xf32>
    %add3A_15 = arith.addf %dot_general3A_9, %add3A : vector<512x256xf32>
    %mul3A = arith.constant 5.000000e-01 : f32
    %mul3A_16 = vector.broadcast %mul3A : f32 to vector<512x256xf32>
    %mul3A_17 = arith.mulf %mul3A_16, %add3A_15 : vector<512x256xf32>
    %mul3A_18 = arith.constant 0.707106769 : f32
    %mul3A_19 = vector.broadcast %mul3A_18 : f32 to vector<512x256xf32>
    %mul3A_20 = arith.mulf %add3A_15, %mul3A_19 : vector<512x256xf32>
    %erf3A = math.erf %mul3A_20 : vector<512x256xf32>
    %add3A_21 = arith.constant 1.000000e+00 : f32
    %add3A_22 = vector.broadcast %add3A_21 : f32 to vector<512x256xf32>
    %add3A_23 = arith.addf %add3A_22, %erf3A : vector<512x256xf32>
    %mul3A_24 = arith.mulf %mul3A_17, %add3A_23 : vector<512x256xf32>
    %get3A_25 = arith.index_cast %get3A_0 : i32 to index
    %get3A_26 = arith.constant 0 : index
    %get3A_27 = arith.constant 0 : index
    %get3A_28 = vector.load %arg5[%get3A_25, %get3A_26, %get3A_27] : memref<2x256x768xf32, #tpu.memory_space<vmem>>, vector<1x256x768xf32>
    %get3A_29 = vector.shape_cast %get3A_28 : vector<1x256x768xf32> to vector<256x768xf32>
    %dot_general3A_30 = arith.constant dense<0.000000e+00> : vector<512x768xf32>
    %dot_general3A_31 = tpu.matmul %mul3A_24, %get3A_29, %dot_general3A_30 {dimension_numbers = #tpu.dot_dimension_numbers<[1], [0], [0], [1], [0, 0, 1, 1], [], []>, transpose_lhs_hint = false} : vector<512x256xf32>, vector<256x768xf32>, vector<512x768xf32> -> vector<512x768xf32>
    %get3A_32 = arith.index_cast %get3A_0 : i32 to index
    %get3A_33 = arith.constant 0 : index
    %get3A_34 = arith.constant 0 : index
    %get3A_35 = vector.load %arg6[%get3A_32, %get3A_33, %get3A_34] : memref<2x1x768xf32, #tpu.memory_space<vmem>>, vector<1x1x768xf32>
    %get3A_36 = vector.shape_cast %get3A_35 : vector<1x1x768xf32> to vector<1x768xf32>
    %add3A_37 = vector.broadcast %get3A_36 : vector<1x768xf32> to vector<512x768xf32>
    %add3A_38 = arith.addf %dot_general3A_31, %add3A_37 : vector<512x768xf32>
    %swap3A = arith.constant 0 : index
    %swap3A_39 = arith.constant 0 : index
    %swap3A_40 = vector.load %arg7[%swap3A, %swap3A_39] : memref<512x3072xf32, #tpu.memory_space<vmem>>, vector<512x768xf32>
    tpu.vector_store %arg7[%swap3A, %swap3A_39], %add3A_38 {strides = array<i32>} : memref<512x3072xf32, #tpu.memory_space<vmem>>, vector<512x768xf32>,
    %get3A_41 = arith.constant 1 : index
    %get3A_42 = memref.load %arg1[%get3A_41] : memref<4xi32, #tpu.memory_space<smem>>
    %get3A_43 = arith.constant 0 : index
    %get3A_44 = arith.constant 768 : index
    %get3A_45 = vector.load %arg2[%get3A_43, %get3A_44] : memref<512x3072xf32, #tpu.memory_space<vmem>>, vector<512x768xf32>
    %get3A_46 = arith.index_cast %get3A_42 : i32 to index
    %get3A_47 = arith.constant 0 : index
    %get3A_48 = arith.constant 0 : index
    %get3A_49 = vector.load %arg3[%get3A_46, %get3A_47, %get3A_48] : memref<2x768x256xf32, #tpu.memory_space<vmem>>, vector<1x768x256xf32>
    %get3A_50 = vector.shape_cast %get3A_49 : vector<1x768x256xf32> to vector<768x256xf32>
    %dot_general3A_51 = arith.constant dense<0.000000e+00> : vector<512x256xf32>
    %dot_general3A_52 = tpu.matmul %get3A_45, %get3A_50, %dot_general3A_51 {dimension_numbers = #tpu.dot_dimension_numbers<[1], [0], [0], [1], [0, 0, 1, 1], [], []>, transpose_lhs_hint = false} : vector<512x768xf32>, vector<768x256xf32>, vector<512x256xf32> -> vector<512x256xf32>
    %get3A_53 = arith.index_cast %get3A_42 : i32 to index
    %get3A_54 = arith.constant 0 : index
    %get3A_55 = arith.constant 0 : index
    %get3A_56 = vector.load %arg4[%get3A_53, %get3A_54, %get3A_55] : memref<2x1x256xf32, #tpu.memory_space<vmem>>, vector<1x1x256xf32>
    %get3A_57 = vector.shape_cast %get3A_56 : vector<1x1x256xf32> to vector<1x256xf32>
    %add3A_58 = vector.broadcast %get3A_57 : vector<1x256xf32> to vector<512x256xf32>
    %add3A_59 = arith.addf %dot_general3A_52, %add3A_58 : vector<512x256xf32>
    %mul3A_60 = arith.constant 5.000000e-01 : f32
    %mul3A_61 = vector.broadcast %mul3A_60 : f32 to vector<512x256xf32>
    %mul3A_62 = arith.mulf %mul3A_61, %add3A_59 : vector<512x256xf32>
    %mul3A_63 = arith.constant 0.707106769 : f32
    %mul3A_64 = vector.broadcast %mul3A_63 : f32 to vector<512x256xf32>
    %mul3A_65 = arith.mulf %add3A_59, %mul3A_64 : vector<512x256xf32>
    %erf3A_66 = math.erf %mul3A_65 : vector<512x256xf32>
    %add3A_67 = arith.constant 1.000000e+00 : f32
    %add3A_68 = vector.broadcast %add3A_67 : f32 to vector<512x256xf32>
    %add3A_69 = arith.addf %add3A_68, %erf3A_66 : vector<512x256xf32>
    %mul3A_70 = arith.mulf %mul3A_62, %add3A_69 : vector<512x256xf32>
    %get3A_71 = arith.index_cast %get3A_42 : i32 to index
    %get3A_72 = arith.constant 0 : index
    %get3A_73 = arith.constant 0 : index
    %get3A_74 = vector.load %arg5[%get3A_71, %get3A_72, %get3A_73] : memref<2x256x768xf32, #tpu.memory_space<vmem>>, vector<1x256x768xf32>
    %get3A_75 = vector.shape_cast %get3A_74 : vector<1x256x768xf32> to vector<256x768xf32>
    %dot_general3A_76 = arith.constant dense<0.000000e+00> : vector<512x768xf32>
    %dot_general3A_77 = tpu.matmul %mul3A_70, %get3A_75, %dot_general3A_76 {dimension_numbers = #tpu.dot_dimension_numbers<[1], [0], [0], [1], [0, 0, 1, 1], [], []>, transpose_lhs_hint = false} : vector<512x256xf32>, vector<256x768xf32>, vector<512x768xf32> -> vector<512x768xf32>
    %get3A_78 = arith.index_cast %get3A_42 : i32 to index
    %get3A_79 = arith.constant 0 : index
    %get3A_80 = arith.constant 0 : index
    %get3A_81 = vector.load %arg6[%get3A_78, %get3A_79, %get3A_80] : memref<2x1x768xf32, #tpu.memory_space<vmem>>, vector<1x1x768xf32>
    %get3A_82 = vector.shape_cast %get3A_81 : vector<1x1x768xf32> to vector<1x768xf32>
    %add3A_83 = vector.broadcast %get3A_82 : vector<1x768xf32> to vector<512x768xf32>
    %add3A_84 = arith.addf %dot_general3A_77, %add3A_83 : vector<512x768xf32>
    %swap3A_85 = arith.constant 0 : index
    %swap3A_86 = arith.constant 768 : index
    %swap3A_87 = vector.load %arg7[%swap3A_85, %swap3A_86] : memref<512x3072xf32, #tpu.memory_space<vmem>>, vector<512x768xf32>
    tpu.vector_store %arg7[%swap3A_85, %swap3A_86], %add3A_84 {strides = array<i32>} : memref<512x3072xf32, #tpu.memory_space<vmem>>, vector<512x768xf32>,
    %get3A_88 = arith.constant 2 : index
    %get3A_89 = memref.load %arg1[%get3A_88] : memref<4xi32, #tpu.memory_space<smem>>
    %get3A_90 = arith.constant 0 : index
    %get3A_91 = arith.constant 1536 : index
    %get3A_92 = vector.load %arg2[%get3A_90, %get3A_91] : memref<512x3072xf32, #tpu.memory_space<vmem>>, vector<512x768xf32>
    %get3A_93 = arith.index_cast %get3A_89 : i32 to index
    %get3A_94 = arith.constant 0 : index
    %get3A_95 = arith.constant 0 : index
    %get3A_96 = vector.load %arg3[%get3A_93, %get3A_94, %get3A_95] : memref<2x768x256xf32, #tpu.memory_space<vmem>>, vector<1x768x256xf32>
    %get3A_97 = vector.shape_cast %get3A_96 : vector<1x768x256xf32> to vector<768x256xf32>
    %dot_general3A_98 = arith.constant dense<0.000000e+00> : vector<512x256xf32>
    %dot_general3A_99 = tpu.matmul %get3A_92, %get3A_97, %dot_general3A_98 {dimension_numbers = #tpu.dot_dimension_numbers<[1], [0], [0], [1], [0, 0, 1, 1], [], []>, transpose_lhs_hint = false} : vector<512x768xf32>, vector<768x256xf32>, vector<512x256xf32> -> vector<512x256xf32>
    %get3A_100 = arith.index_cast %get3A_89 : i32 to index
    %get3A_101 = arith.constant 0 : index
    %get3A_102 = arith.constant 0 : index
    %get3A_103 = vector.load %arg4[%get3A_100, %get3A_101, %get3A_102] : memref<2x1x256xf32, #tpu.memory_space<vmem>>, vector<1x1x256xf32>
    %get3A_104 = vector.shape_cast %get3A_103 : vector<1x1x256xf32> to vector<1x256xf32>
    %add3A_105 = vector.broadcast %get3A_104 : vector<1x256xf32> to vector<512x256xf32>
    %add3A_106 = arith.addf %dot_general3A_99, %add3A_105 : vector<512x256xf32>
    %mul3A_107 = arith.constant 5.000000e-01 : f32
    %mul3A_108 = vector.broadcast %mul3A_107 : f32 to vector<512x256xf32>
    %mul3A_109 = arith.mulf %mul3A_108, %add3A_106 : vector<512x256xf32>
    %mul3A_110 = arith.constant 0.707106769 : f32
    %mul3A_111 = vector.broadcast %mul3A_110 : f32 to vector<512x256xf32>
    %mul3A_112 = arith.mulf %add3A_106, %mul3A_111 : vector<512x256xf32>
    %erf3A_113 = math.erf %mul3A_112 : vector<512x256xf32>
    %add3A_114 = arith.constant 1.000000e+00 : f32
    %add3A_115 = vector.broadcast %add3A_114 : f32 to vector<512x256xf32>
    %add3A_116 = arith.addf %add3A_115, %erf3A_113 : vector<512x256xf32>
    %mul3A_117 = arith.mulf %mul3A_109, %add3A_116 : vector<512x256xf32>
    %get3A_118 = arith.index_cast %get3A_89 : i32 to index
    %get3A_119 = arith.constant 0 : index
    %get3A_120 = arith.constant 0 : index
    %get3A_121 = vector.load %arg5[%get3A_118, %get3A_119, %get3A_120] : memref<2x256x768xf32, #tpu.memory_space<vmem>>, vector<1x256x768xf32>
    %get3A_122 = vector.shape_cast %get3A_121 : vector<1x256x768xf32> to vector<256x768xf32>
    %dot_general3A_123 = arith.constant dense<0.000000e+00> : vector<512x768xf32>
    %dot_general3A_124 = tpu.matmul %mul3A_117, %get3A_122, %dot_general3A_123 {dimension_numbers = #tpu.dot_dimension_numbers<[1], [0], [0], [1], [0, 0, 1, 1], [], []>, transpose_lhs_hint = false} : vector<512x256xf32>, vector<256x768xf32>, vector<512x768xf32> -> vector<512x768xf32>
    %get3A_125 = arith.index_cast %get3A_89 : i32 to index
    %get3A_126 = arith.constant 0 : index
    %get3A_127 = arith.constant 0 : index
    %get3A_128 = vector.load %arg6[%get3A_125, %get3A_126, %get3A_127] : memref<2x1x768xf32, #tpu.memory_space<vmem>>, vector<1x1x768xf32>
    %get3A_129 = vector.shape_cast %get3A_128 : vector<1x1x768xf32> to vector<1x768xf32>
    %add3A_130 = vector.broadcast %get3A_129 : vector<1x768xf32> to vector<512x768xf32>
    %add3A_131 = arith.addf %dot_general3A_124, %add3A_130 : vector<512x768xf32>
    %swap3A_132 = arith.constant 0 : index
    %swap3A_133 = arith.constant 1536 : index
    %swap3A_134 = vector.load %arg7[%swap3A_132, %swap3A_133] : memref<512x3072xf32, #tpu.memory_space<vmem>>, vector<512x768xf32>
    tpu.vector_store %arg7[%swap3A_132, %swap3A_133], %add3A_131 {strides = array<i32>} : memref<512x3072xf32, #tpu.memory_space<vmem>>, vector<512x768xf32>,
    %get3A_135 = arith.constant 3 : index
    %get3A_136 = memref.load %arg1[%get3A_135] : memref<4xi32, #tpu.memory_space<smem>>
    %get3A_137 = arith.constant 0 : index
    %get3A_138 = arith.constant 2304 : index
    %get3A_139 = vector.load %arg2[%get3A_137, %get3A_138] : memref<512x3072xf32, #tpu.memory_space<vmem>>, vector<512x768xf32>
    %get3A_140 = arith.index_cast %get3A_136 : i32 to index
    %get3A_141 = arith.constant 0 : index
    %get3A_142 = arith.constant 0 : index
    %get3A_143 = vector.load %arg3[%get3A_140, %get3A_141, %get3A_142] : memref<2x768x256xf32, #tpu.memory_space<vmem>>, vector<1x768x256xf32>
    %get3A_144 = vector.shape_cast %get3A_143 : vector<1x768x256xf32> to vector<768x256xf32>
    %dot_general3A_145 = arith.constant dense<0.000000e+00> : vector<512x256xf32>
    %dot_general3A_146 = tpu.matmul %get3A_139, %get3A_144, %dot_general3A_145 {dimension_numbers = #tpu.dot_dimension_numbers<[1], [0], [0], [1], [0, 0, 1, 1], [], []>, transpose_lhs_hint = false} : vector<512x768xf32>, vector<768x256xf32>, vector<512x256xf32> -> vector<512x256xf32>
    %get3A_147 = arith.index_cast %get3A_136 : i32 to index
    %get3A_148 = arith.constant 0 : index
    %get3A_149 = arith.constant 0 : index
    %get3A_150 = vector.load %arg4[%get3A_147, %get3A_148, %get3A_149] : memref<2x1x256xf32, #tpu.memory_space<vmem>>, vector<1x1x256xf32>
    %get3A_151 = vector.shape_cast %get3A_150 : vector<1x1x256xf32> to vector<1x256xf32>
    %add3A_152 = vector.broadcast %get3A_151 : vector<1x256xf32> to vector<512x256xf32>
    %add3A_153 = arith.addf %dot_general3A_146, %add3A_152 : vector<512x256xf32>
    %mul3A_154 = arith.constant 5.000000e-01 : f32
    %mul3A_155 = vector.broadcast %mul3A_154 : f32 to vector<512x256xf32>
    %mul3A_156 = arith.mulf %mul3A_155, %add3A_153 : vector<512x256xf32>
    %mul3A_157 = arith.constant 0.707106769 : f32
    %mul3A_158 = vector.broadcast %mul3A_157 : f32 to vector<512x256xf32>
    %mul3A_159 = arith.mulf %add3A_153, %mul3A_158 : vector<512x256xf32>
    %erf3A_160 = math.erf %mul3A_159 : vector<512x256xf32>
    %add3A_161 = arith.constant 1.000000e+00 : f32
    %add3A_162 = vector.broadcast %add3A_161 : f32 to vector<512x256xf32>
    %add3A_163 = arith.addf %add3A_162, %erf3A_160 : vector<512x256xf32>
    %mul3A_164 = arith.mulf %mul3A_156, %add3A_163 : vector<512x256xf32>
    %get3A_165 = arith.index_cast %get3A_136 : i32 to index
    %get3A_166 = arith.constant 0 : index
    %get3A_167 = arith.constant 0 : index
    %get3A_168 = vector.load %arg5[%get3A_165, %get3A_166, %get3A_167] : memref<2x256x768xf32, #tpu.memory_space<vmem>>, vector<1x256x768xf32>
    %get3A_169 = vector.shape_cast %get3A_168 : vector<1x256x768xf32> to vector<256x768xf32>
    %dot_general3A_170 = arith.constant dense<0.000000e+00> : vector<512x768xf32>
    %dot_general3A_171 = tpu.matmul %mul3A_164, %get3A_169, %dot_general3A_170 {dimension_numbers = #tpu.dot_dimension_numbers<[1], [0], [0], [1], [0, 0, 1, 1], [], []>, transpose_lhs_hint = false} : vector<512x256xf32>, vector<256x768xf32>, vector<512x768xf32> -> vector<512x768xf32>
    %get3A_172 = arith.index_cast %get3A_136 : i32 to index
    %get3A_173 = arith.constant 0 : index
    %get3A_174 = arith.constant 0 : index
    %get3A_175 = vector.load %arg6[%get3A_172, %get3A_173, %get3A_174] : memref<2x1x768xf32, #tpu.memory_space<vmem>>, vector<1x1x768xf32>
    %get3A_176 = vector.shape_cast %get3A_175 : vector<1x1x768xf32> to vector<1x768xf32>
    %add3A_177 = vector.broadcast %get3A_176 : vector<1x768xf32> to vector<512x768xf32>
    %add3A_178 = arith.addf %dot_general3A_171, %add3A_177 : vector<512x768xf32>
    %swap3A_179 = arith.constant 0 : index
    %swap3A_180 = arith.constant 2304 : index
    %swap3A_181 = vector.load %arg7[%swap3A_179, %swap3A_180] : memref<512x3072xf32, #tpu.memory_space<vmem>>, vector<512x768xf32>
    tpu.vector_store %arg7[%swap3A_179, %swap3A_180], %add3A_178 {strides = array<i32>} : memref<512x3072xf32, #tpu.memory_space<vmem>>, vector<512x768xf32>,
    return
  }
  func.func @transform_0(%arg0: i32, %arg1: memref<4xi32, #tpu.memory_space<smem>>) -> (i32, i32) {
    %c0_i32 = arith.constant 0 : i32
    %c0_i32_0 = arith.constant 0 : i32
    return %arg0, %c0_i32 : i32, i32
  }
  func.func @transform_1(%arg0: i32, %arg1: memref<4xi32, #tpu.memory_space<smem>>) -> (i32, i32, i32) {
    %c0_i32 = arith.constant 0 : i32
    %c0_i32_0 = arith.constant 0 : i32
    %c0_i32_1 = arith.constant 0 : i32
    %c0_i32_2 = arith.constant 0 : i32
    return %c0_i32, %c0_i32_0, %c0_i32_1 : i32, i32, i32
  }
  func.func @transform_2(%arg0: i32, %arg1: memref<4xi32, #tpu.memory_space<smem>>) -> (i32, i32, i32) {
    %c0_i32 = arith.constant 0 : i32
    %c0_i32_0 = arith.constant 0 : i32
    %c0_i32_1 = arith.constant 0 : i32
    %c0_i32_2 = arith.constant 0 : i32
    return %c0_i32, %c0_i32_0, %c0_i32_1 : i32, i32, i32
  }
  func.func @transform_3(%arg0: i32, %arg1: memref<4xi32, #tpu.memory_space<smem>>) -> (i32, i32, i32) {
    %c0_i32 = arith.constant 0 : i32
    %c0_i32_0 = arith.constant 0 : i32
    %c0_i32_1 = arith.constant 0 : i32
    %c0_i32_2 = arith.constant 0 : i32
    return %c0_i32, %c0_i32_0, %c0_i32_1 : i32, i32, i32
  }
  func.func @transform_4(%arg0: i32, %arg1: memref<4xi32, #tpu.memory_space<smem>>) -> (i32, i32, i32) {
    %c0_i32 = arith.constant 0 : i32
    %c0_i32_0 = arith.constant 0 : i32
    %c0_i32_1 = arith.constant 0 : i32
    %c0_i32_2 = arith.constant 0 : i32
    return %c0_i32, %c0_i32_0, %c0_i32_1 : i32, i32, i32
  }
  func.func @transform_5(%arg0: i32, %arg1: memref<4xi32, #tpu.memory_space<smem>>) -> (i32, i32) {
    %c0_i32 = arith.constant 0 : i32
    %c0_i32_0 = arith.constant 0 : i32
    return %arg0, %c0_i32 : i32, i32
  }
}

</mosaic_0001>

<sc_bundles>
// kernel: sparse-core-data-format-call.cloned.1.call-start
scs
called_computation_lowered:
.L_overlay_start_0:
0x0: {  	s2 =	sld [smem:$0x3FD9]  }
0x1: {  	s3 =	sld [smem:$0x3FFE];
	_ =	sdelay $0x1  }
0x2: {  	s1 =	srdreg.scid  }
0x3: {  	s0 =	sand.u32 $0x1, s1  }
0x4: {  	s19 =	sshll.u32 s0, $0xA;
	s2 =	sadd.s32 s3, s2  }
0x5: {  	s2 =	sadd.s32 s2, s19  }
0x6: {  	[smem:$0x3FBE] =	sst s2  }
0x7: {  	_ = 	snop  }
0x8: {  	s2 =	sld [smem:$0x3FC9]  }
0x9: {  	s20 =	sld [smem:$0x3FD0];
	(tm) =	ssettm $0x1  }
0xa: {  	s4 =	sld [smem:$0x3FFB];
	_ =	sdelay $0x3  }
0xb: {  	_ =	strace s4  }
0xc: {  	s4 =	sld [smem:$0x3FFC];
	_ =	sdelay $0x3  }
0xd: {  	_ =	strace s4  }
0xe: {  	s4 =	sld [smem:$0x3FFD];
	_ =	sdelay $0x3  }
0xf: {  	_ =	strace s4  }
0x10: {  	_ =	strace $0x8FFFFFFF  }
0x11: {  	s21 =	sld [smem:$0x3FDB];
	_ =	sdelay $0x1  }
0x12: {  	s5 =	simm.s32 $_scs_section_size  }
0x13: {  	s6 =	simm.s32 $_size__tile_overlayer_lowered;
	s7 =	simm.s32 $_tile_overlayer_lowered  }
0x14: {  	s24 =	simm.s32 $0x1BFF;
	s23 =	sshll.u32 s7, $0x1;
	s4 =	sadd.s32 s5, s21  }
0x15: {  	s8 =	simm.s32 $0x0;
	s22 =	sshll.u32 s6, $0x1;
	s6 =	sadd.s32 s23, s4  }
0x16: {  	[timem:s8], [sflag:s24] =	dma.local [hbm:s6], s22  }
0x17: {  	_ =	swait.ge [sflag:s24], s22  }
0x18: {  	s5 =	ssub.s32 $0x0, s22;
	[sflag:s24] =	ssyncset.done $0x0  }
0x19: {  	[sflag:s24] =	ssyncadd.s32 s5;
	_ =	sdelay $0x1  }
0x1a: {  	s25 =	simm.s32 $0x1B8B  }
0x1b: {  	_ =	swait.ge [sflag:s25], $0x1  }
0x1c: {  	[sflag:s25] =	ssyncset.done $0x0  }
0x1d: {  	s26 =	simm.s32 $0x1B8E;
	[sflag:s25] =	ssyncadd.s32 $0xFFFFFFFF  }
0x1e: {  	s27 =	simm.s32 $execute0_lowered;
	[smem:$0x3FD2] =	sst s26  }
0x1f: {  	s5 =	sshll.u32 s27, $0x1;
	_ =	strace $0x80000046;
	[dreg:$0x1] =	wrdreg $0xFFFFFFFF  }
0x20: {  	s28 =	simm.s32 $_size_execute0_lowered;
	s4 =	sadd.s32 s4, s5;
	[dreg:$0x0] =	wrdreg $0x0  }
0x21: {  	s5 =	sshll.u32 s28, $0x1;
	[dreg:$0x2] =	wrdreg s4  }
0x22: {  	[dreg:$0x3] =	wrdreg s5  }
0x23: {  	[dreg:$0x4] =	wrdreg $0xC0  }
0x24: {  	_ =	task [dreg:s8], $0x5FFFF  }
0x25: {  	[dreg:$0x1] =	wrdreg $0xFFFFFFFF  }
0x26: {  	[dreg:$0x0] =	wrdreg $0x60  }
0x27: {  	[dreg:$0x2] =	wrdreg s2  }
0x28: {  	[dreg:$0x3] =	wrdreg s20  }
0x29: {  	[dreg:$0x4] =	wrdreg $0x9  }
0x2a: {  	_ =	task.clear_ibuf [dreg:s8], $0x5FFFF;
	_ =	strace $0x90000046  }
0x2b: {  	s29 =	simm.s32 $0x9;
	_ =	strace $0x80000048  }
0x2c: {  	_ =	swait.ge [sflag:s29], $0x1  }
0x2d: {  	[sflag:s29] =	ssyncadd.s32 $0xFFFFFFFF  }
0x2e: {  	_ =	strace $0x90000048  }
0x2f: {  	_ =	sfence  }
0x30: {  	s30 =	sld [smem:$0x0];
	_ =	sdelay $0x2  }
0x31: {  	s31 =	sshll.u32 s1, $0xD;
	s1 =	sshrl.u32 s1, $0x2  }
0x32: {  	s3 =	sand.u32 $0x4000, s31;
	s1 =	sadd.s32 s1, s30  }
0x33: {  	s0 =	sor.u32 s3, s0;
	s1 =	sshll.u32 s1, $0x11  }
0x34: {  	s0 =	sor.u32 s1, s0  }
0x35: {  	s0 =	sadd.s32 $0x8F2B, s0  }
0x36: {  	[sflag:s0] =	ssyncadd.remote.s32 $0x1  }
0x37: {  	_ =	sfence.sel $0xFFFF  }
0x38: {  	[dreg:$0x0] =	wrdreg $0xFFFFFFFF;
	(pc) =	sbr.abs _section_cstart, $3  }
0x39: {  	[dreg:$0x1] =	wrdreg $0xFFFFFFFF  }
0x3a: {  	_ =	task.clear_ibuf [dreg:s8], $0x2FFFF;
	_ =	strace $0x9FFFFFFF  }
0x3b: {  	(tm) =	ssettm $0x7FFFFFFF  }
tec
execute0_lowered:
.L_overlay_start_1:
0x0: {  	(tag) =	ssettag $0x1  }
0x1: {  	s0 =	srdreg.scid  }
0x2: {  	s0 =	sshll.u32 s0, $0x4  }
0x3: {  	s1 =	stileid.u32;
	s0 =	sand.u32 $0x10, s0  }
0x4: {  	s3 =	rddreg [dreg:$0x0];
	s0 =	sor.u32 s1, s0  }
0x5: {  	_ =	strace $0x80000047;
	s5 =	simm.s32 $0x1;
	s2 =	sshll.u32 s0, $0x1  }
0x6: {  	s31 =	simm.s32 $0x2;
	s16 =	simm.s32 $0x0;
	s0 =	ssub.s32 $0x400, s2  }
0x7: {  	s8 =	simm.s32 $0x1800;
	s9 =	simm.s32 $0x0;
	s30 =	sand.u32 $0x3E, s0  }
0x8: {  	s15 =	simm.s32 $0x0;
	s1 =	simm.s32 $0x1;
	p0 =	sne.s32 s30, $0x0  }
.Ltmp0:
0x9: {  	s0 =	sshrl.u32 s0, $0x6;
	s1 =	simm.s32 @!p0 $0x0;
	(pc) =	sbr.rel .LBB1_1-.Ltmp0, $4  }
0xa: {  	s18 =	simm.s32 $0x0;
	s17 =	simm.s32 $0x0;
	s0 =	sadd.s32 s1, s0  }
0xb: {  	s10 =	simm.s32 $0x0;
	s11 =	simm.s32 $0x0;
	s6 =	smul.u32 $0x3, s0  }
0xc: {  	s12 =	simm.s32 $0x0;
	s14 =	simm.s32 $0x0;
	[sflag:s5] =	ssyncpa.u1 $0x0  }
0xd: {  	[sflag:s31] =	ssyncpa.u1 $0x0;
	s13 =	smov.u32 s2;
	s7 =	sadd.s32 $0x1, s6  }
.LBB1_9:
0xe: {  	s0 =	sadd.s32 $0x100, s10  }
0xf: {  	s1 =	sadd.s32 $0x4, s11;
	s4 =	smov.u32 s11;
	p1 =	sgt.s32 s0, $0x2FF  }
0x10: {  	s4 =	smov.u32 @p1 s1  }
0x11: {  	s19 =	smov.u32 s12;
	s1 =	sadd.s32 $0x8, s12;
	p2 =	sgt.s32 s4, $0x3  }
0x12: {  	s19 =	smov.u32 @p2 s1  }
0x13: {  	s20 =	smov.u32 s13;
	s1 =	sadd.s32 $0x40, s13;
	p3 =	sgt.s32 s19, $0x7  }
0x14: {  	p0 =	slt.u32 s14, $0x2;
	s20 =	smov.u32 @p3 s1  }
0x15: {  	s16 =	smov.u32 s10;
	s0 =	simm.s32 @p1 $0x0;
	p1 =	sgt.s32 s20, $0x3FF  }
0x16: {  	s15 =	smov.u32 s11;
	s20 =	smov.u32 @p1 s2;
	p1 =	sne.s32 s14, s7  }
.Ltmp1:
0x17: {  	s18 =	smov.u32 s12;
	s17 =	smov.u32 s13;
	(pc) =	sbr.rel @!p1 .LBB1_10-.Ltmp1, $4  }
0x18: {  	s9 =	sadd.s32 $0x4000, s9;
	s10 =	smov.u32 s0;
	s1 =	simm.s32 @!p0 $0x2  }
0x19: {  	s4 =	simm.s32 @p2 $0x0;
	s19 =	simm.s32 @p3 $0x0;
	_ =	swait.ge @!p0 [sflag:s1], $0x4000  }
0x1a: {  	s11 =	smov.u32 s4;
	s12 =	smov.u32 s19;
	[sflag:s1] =	ssyncset.done @!p0 $0x0  }
0x1b: {  	s14 =	sadd.s32 $0x1, s14;
	[sflag:s1] =	ssyncadd.s32 @!p0 $0xFFFFC000;
	s13 =	smov.u32 s20  }
.LBB1_1:
0x1c: {  	p0 =	sge.u32 s14, s6  }
0x1d: {  	s0 =	sshrl.u32 @!p0 s11, $0x2  }
0x1e: {  	s1 =	sshll.u32 @!p0 s10, $0x2;
	s0 =	smul.u32 @!p0 $0xC00, s0  }
0x1f: {  	s4 =	sshll.u32 @!p0 s11, $0x7;
	s1 =	sand.u32 @!p0 $0xFFFFFE00, s1  }
0x20: {  	s0 =	sadd.s32 @!p0 s0, s1;
	s1 =	sand.u32 @!p0 $0x180, s4  }
0x21: {  	s4 =	sand.u32 @!p0 $0x7F, s10;
	s0 =	sor.u32 @!p0 s1, s0  }
0x22: {  	s1 =	sor.u32 @!p0 s4, s0  }
0x23: {  	s4 =	smulhi.u32 @!p0 $0xAAAAAAAB, s1  }
0x24: {  	s0 =	smulhi.u32 @!p0 $0xAAAAAAAB, s0  }
0x25: {  	s31 =	sadd.s32 $0xFFFFFFFF, s14;
	s20 =	smul.u32 @!p0 $0xC00, s13;
	s4 =	sshrl.u32 @!p0 s4, $0x9  }
0x26: {  	s19 =	sxor.u32 @!p0 $0xFFFFFFFF, s14;
	s0 =	sshrl.u32 @!p0 s0, $0x9;
	s4 =	smul.u32 @!p0 $0x300, s4  }
0x27: {  	s21 =	smul.u32 @!p0 $0x180, s12;
	s19 =	sshll.u32 @!p0 s19, $0xE;
	s0 =	sand.u32 @!p0 $0x3, s0  }
0x28: {  	s0 =	smul.u32 @!p0 $0x60, s0;
	s1 =	ssub.s32 @!p0 s1, s4;
	s4 =	sadd.s32 @!p0 s3, s20  }
0x29: {  	s19 =	sand.u32 @!p0 $0x4000, s19;
	s4 =	sadd.s32 @!p0 s21, s4;
	s20 =	sand.u32 @!p0 $0x7, s1  }
0x2a: {  	s1 =	sshrl.u32 @!p0 s1, $0x3;
	s0 =	sadd.s32 @!p0 s0, s4;
	s4 =	sshll.u32 @!p0 s20, $0x12  }
0x2b: {  	s0 =	sadd.s32 @!p0 s1, s0;
	s1 =	sor.u32 @!p0 $0x400, s4;
	s4 =	simm.s32 @!p0 $0xC00  }
0x2c: {  	[tilespmem:s19], [sflag:$0x1] =	stream.strided.gather @!p0 [hbm4b:s0+s1], $0x4000, s4, s1, $0x38;
	[tilespmem:$0x10000] =	vst v63  }
0x2d: {  	p0 =	sge.u32 s31, s6  }
.Ltmp2:
0x2e: {  	_ = 	snop;
	(pc) =	sbr.rel @p0 .LBB1_9-.Ltmp2, $1  }
0x2f: {  	_ =	sdelay $0x3  }
0x30: {  	s0 =	sshll.u32 s9, $0x2  }
0x31: {  	_ =	swait.ge [sflag:s5], $0x4000;
	s1 =	sshll.u32 s14, $0xE;
	s24 =	simm.s32 $0x0  }
0x32: {  	p1 =	por $0x1, $0x1;
	s0 =	sand.u32 $0x10000, s0;
	[sflag:s5] =	ssyncset.done $0x0  }
0x33: {  	s21 =	sand.u32 $0x4000, s1;
	s20 =	sshrl.u32 s0, $0x2;
	[sflag:s5] =	ssyncadd.s32 $0xFFFFC000  }
0x34: {  	s19 =	sor.u32 $0x8000, s21;
	s22 =	sor.u32 $0x8000, s20;
	s23 =	sadd.s32 $0x8400, s20  }
.LBB1_3:
0x35: {  	s0 =	sshll.u32 s24, $0x2  }
0x36: {  	s0 =	sshrl.u32 s0, $0x2  }
0x37: {  	v0 =	vmov s0;
	_ =	sdelay $0x2  }
0x38: {  	p0 =	por p1, p1;
	p1 =	por $0x0, $0x0;
	s25 =	smov.u32 s22  }
0x39: {  	s26 =	simm.s32 $0x0;
	s27 =	smov.u32 s20;
	s28 =	simm.s32 $0x0  }
.LBB1_4:
0x3a: {  	_ =	sdelay $0x3  }
0x3b: {  	v2 =	vld.idx.msk [tilespmem:v0+s27+$0x10 ss:$0x1], $0xffff  }
0x3c: {  	v3 =	vld.idx.msk [tilespmem:v0+s27+$0x270 ss:$0x1], $0xffff  }
0x3d: {  	s0 =	sshll.u32 s28, $0xA;
	v5 =	vld.idx.msk [tilespmem:v0+s27+$0x20 ss:$0x1], $0xffff  }
0x3e: {  	v8 =	vld.idx.msk [tilespmem:v0+s27+$0x30 ss:$0x1], $0xffff;
	s0 =	sadd.s32 s24, s0  }
0x3f: {  	v9 =	vld.idx.msk [tilespmem:v0+s27+$0x40 ss:$0x1], $0xffff;
	v1 =	vmov s0  }
0x40: {  	s4 =	simm.s32 $0x0;
	v10 =	vld.idx.msk [tilespmem:v0+s27+$0x50 ss:$0x1], $0xffff  }
0x41: {  	v11 =	vld.idx.msk [tilespmem:v0+s27+$0x60 ss:$0x1], $0xffff;
	s1 =	sand.u32 $0x100, s4  }
0x42: {  	v12 =	vld.idx.msk [tilespmem:v0+s27+$0x70 ss:$0x1], $0xffff;
	s0 =	sand.u32 $0x80, s4;
	s1 =	sadd.s32 s1, s21;
	[tilespmem:v0+s25+$0x470 ss:$0x1] =	vst.idx.msk $0xffff, v3  }
0x43: {  	v7 =	vld.idx.msk [tilespmem:v0+s27+$0x210 ss:$0x1], $0xffff;
	s0 =	sadd.s32 s0, s1;
	s1 =	simm.s32 $0x1;
	[tilespmem:v0+s25+$0x10 ss:$0x1] =	vst.idx.msk $0xffff, v2  }
0x44: {  	s4 =	sshll.u32 s26, $0x2;
	s1 =	simm.s32 @!p1 $0x0;
	[tilespmem:v0+s25+$0x20 ss:$0x1] =	vst.idx.msk $0xffff, v5;
	v4 =	vld.idx.msk [tilespmem:v1+s0+$0x200 ss:$0x1], $0xffff  }
0x45: {  	v6 =	vld.idx.msk [tilespmem:v0+s27+$0x220 ss:$0x1], $0xffff;
	s1 =	sshll.u32 s1, $0x9;
	[tilespmem:v0+s25+$0x30 ss:$0x1] =	vst.idx.msk $0xffff, v8;
	s0 =	sand.u32 $0xFFFFFC00, s4  }
0x46: {  	v3 =	vld.idx.msk [tilespmem:v0+s27+$0x230 ss:$0x1], $0xffff;
	[tilespmem:v0+s25+$0x40 ss:$0x1] =	vst.idx.msk $0xffff, v9;
	s0 =	sor.u32 s1, s0  }
0x47: {  	[tilespmem:v0+s25+$0x50 ss:$0x1] =	vst.idx.msk $0xffff, v10;
	v5 =	vld.idx.msk [tilespmem:v0+s27+$0x250 ss:$0x1], $0xffff;
	s0 =	sshrl.u32 s0, $0x2  }
0x48: {  	[tilespmem:v0+s25+$0x60 ss:$0x1] =	vst.idx.msk $0xffff, v11;
	v2 =	vld.idx.msk [tilespmem:v0+s27+$0x260 ss:$0x1], $0xffff;
	s29 =	sadd.s32 s0, s23  }
0x49: {  	s30 =	sadd.s32 $0x80, s27;
	s0 =	simm.s32 $0x80;
	[tilespmem:v0+s29+$0x0 ss:$0x1] =	vst.idx.msk $0xffff, v4;
	v4 =	vld.idx.msk [tilespmem:v0+s27+$0x240 ss:$0x1], $0xffff  }
0x4a: {  	s31 =	smov.u32 s25;
	v8 =	vld.idx.msk [tilespmem:v0+s27+$0x0 ss:$0x1], $0xffff;
	[tilespmem:v0+s25+$0x70 ss:$0x1] =	vst.idx.msk $0xffff, v12;
	s1 =	simm.s32 $0x100;
	s4 =	sand.u32 $0x100, s0  }
.LBB1_5:
0x4b: {  	p2 =	sne.s32 s1, $0x180;
	v9 =	vld.idx.msk [tilespmem:v0+s30+$0x10 ss:$0x1], $0xffff;
	s0 =	sand.u32 $0x80, s0;
	s4 =	sadd.s32 s4, s21;
	[tilespmem:v0+s31+$0x410 ss:$0x1] =	vst.idx.msk $0xffff, v7  }
0x4c: {  	s4 =	sadd.s32 s0, s4;
	v7 =	vld.idx.msk [tilespmem:v0+s30+$0x270 ss:$0x1], $0xffff;
	[tilespmem:v0+s31+$0x420 ss:$0x1] =	vst.idx.msk $0xffff, v6;
	s0 =	smov.u32 s1  }
0x4d: {  	v6 =	vld.idx.msk [tilespmem:v1+s4+$0x200 ss:$0x1], $0xffff;
	[tilespmem:v0+s31+$0x430 ss:$0x1] =	vst.idx.msk $0xffff, v3  }
0x4e: {  	v3 =	vld.idx.msk [tilespmem:v0+s30+$0x20 ss:$0x1], $0xffff;
	[tilespmem:v0+s31+$0x440 ss:$0x1] =	vst.idx.msk $0xffff, v4  }
0x4f: {  	v4 =	vld.idx.msk [tilespmem:v0+s30+$0x30 ss:$0x1], $0xffff;
	[tilespmem:v0+s31+$0x450 ss:$0x1] =	vst.idx.msk $0xffff, v5  }
0x50: {  	v5 =	vld.idx.msk [tilespmem:v0+s30+$0x40 ss:$0x1], $0xffff;
	[tilespmem:v0+s31+$0x0 ss:$0x1] =	vst.idx.msk $0xffff, v8  }
0x51: {  	v8 =	vld.idx.msk [tilespmem:v0+s30+$0x50 ss:$0x1], $0xffff;
	[tilespmem:v0+s31+$0x460 ss:$0x1] =	vst.idx.msk $0xffff, v2;
	s31 =	sadd.s32 $0x800, s31  }
0x52: {  	s29 =	sadd.s32 $0x800, s29;
	v2 =	vld.idx.msk [tilespmem:v0+s30+$0x60 ss:$0x1], $0xffff;
	[tilespmem:v0+s31+$0x470 ss:$0x1] =	vst.idx.msk $0xffff, v7  }
0x53: {  	v10 =	vld.idx.msk [tilespmem:v0+s30+$0x70 ss:$0x1], $0xffff;
	[tilespmem:v0+s29+$0x0 ss:$0x1] =	vst.idx.msk $0xffff, v6  }
0x54: {  	[tilespmem:v0+s31+$0x10 ss:$0x1] =	vst.idx.msk $0xffff, v9;
	v7 =	vld.idx.msk [tilespmem:v0+s30+$0x210 ss:$0x1], $0xffff  }
0x55: {  	[tilespmem:v0+s31+$0x20 ss:$0x1] =	vst.idx.msk $0xffff, v3;
	v6 =	vld.idx.msk [tilespmem:v0+s30+$0x220 ss:$0x1], $0xffff  }
.Ltmp3:
0x56: {  	[tilespmem:v0+s31+$0x30 ss:$0x1] =	vst.idx.msk $0xffff, v4;
	v3 =	vld.idx.msk [tilespmem:v0+s30+$0x230 ss:$0x1], $0xffff;
	(pc) =	sbr.rel @p2 .LBB1_5-.Ltmp3, $4  }
0x57: {  	[tilespmem:v0+s31+$0x40 ss:$0x1] =	vst.idx.msk $0xffff, v5;
	v4 =	vld.idx.msk [tilespmem:v0+s30+$0x240 ss:$0x1], $0xffff  }
0x58: {  	[tilespmem:v0+s31+$0x50 ss:$0x1] =	vst.idx.msk $0xffff, v8;
	v5 =	vld.idx.msk [tilespmem:v0+s30+$0x250 ss:$0x1], $0xffff  }
0x59: {  	[tilespmem:v0+s31+$0x60 ss:$0x1] =	vst.idx.msk $0xffff, v2;
	v2 =	vld.idx.msk [tilespmem:v0+s30+$0x260 ss:$0x1], $0xffff  }
0x5a: {  	s1 =	sadd.s32 $0x80, s1;
	s4 =	sand.u32 $0x100, s0;
	v8 =	vld.idx.msk [tilespmem:v0+s30+$0x0 ss:$0x1], $0xffff;
	[tilespmem:v0+s31+$0x70 ss:$0x1] =	vst.idx.msk $0xffff, v10;
	s30 =	sadd.s32 $0x80, s30  }
0x5b: {  	_ =	sdelay $0x3  }
0x5c: {  	[tilespmem:v0+s31+$0x410 ss:$0x1] =	vst.idx.msk $0xffff, v7  }
0x5d: {  	[tilespmem:v0+s31+$0x420 ss:$0x1] =	vst.idx.msk $0xffff, v6  }
0x5e: {  	v56 =	vld.idx.msk [tilespmem:v0+s30+$0x270 ss:$0x1], $0xffff;
	[tilespmem:v0+s31+$0x430 ss:$0x1] =	vst.idx.msk $0xffff, v3  }
0x5f: {  	v3 =	vld.idx.msk [tilespmem:v0+s30+$0x10 ss:$0x1], $0xffff;
	[tilespmem:v0+s31+$0x440 ss:$0x1] =	vst.idx.msk $0xffff, v4  }
0x60: {  	v57 =	vld.idx.msk [tilespmem:v0+s30+$0x20 ss:$0x1], $0xffff;
	[tilespmem:v0+s31+$0x450 ss:$0x1] =	vst.idx.msk $0xffff, v5  }
0x61: {  	s0 =	sand.u32 $0x80, s0;
	s1 =	sadd.s32 s4, s21;
	v58 =	vld.idx.msk [tilespmem:v0+s30+$0x30 ss:$0x1], $0xffff;
	[tilespmem:v0+s31+$0x460 ss:$0x1] =	vst.idx.msk $0xffff, v2  }
0x62: {  	s4 =	sadd.s32 $0x800, s31;
	v59 =	vld.idx.msk [tilespmem:v0+s30+$0x50 ss:$0x1], $0xffff;
	s0 =	sadd.s32 s0, s1;
	[tilespmem:v0+s31+$0x0 ss:$0x1] =	vst.idx.msk $0xffff, v8  }
0x63: {  	v1 =	vld.idx.msk [tilespmem:v1+s0+$0x200 ss:$0x1], $0xffff;
	[tilespmem:v0+s4+$0x470 ss:$0x1] =	vst.idx.msk $0xffff, v56  }
0x64: {  	v60 =	vld.idx.msk [tilespmem:v0+s30+$0x210 ss:$0x1], $0xffff;
	[tilespmem:v0+s4+$0x10 ss:$0x1] =	vst.idx.msk $0xffff, v3  }
0x65: {  	v61 =	vld.idx.msk [tilespmem:v0+s30+$0x220 ss:$0x1], $0xffff;
	[tilespmem:v0+s4+$0x20 ss:$0x1] =	vst.idx.msk $0xffff, v57  }
0x66: {  	v2 =	vld.idx.msk [tilespmem:v0+s30+$0x40 ss:$0x1], $0xffff;
	[tilespmem:v0+s4+$0x30 ss:$0x1] =	vst.idx.msk $0xffff, v58  }
0x67: {  	s31 =	sadd.s32 $0x800, s29;
	v3 =	vld.idx.msk [tilespmem:v0+s30+$0x70 ss:$0x1], $0xffff;
	[tilespmem:v0+s4+$0x50 ss:$0x1] =	vst.idx.msk $0xffff, v59  }
0x68: {  	[tilespmem:v0+s31+$0x0 ss:$0x1] =	vst.idx.msk $0xffff, v1;
	v1 =	vld.idx.msk [tilespmem:v0+s30+$0x60 ss:$0x1], $0xffff  }
0x69: {  	v62 =	vld.idx.msk [tilespmem:v0+s30+$0x240 ss:$0x1], $0xffff;
	[tilespmem:v0+s4+$0x410 ss:$0x1] =	vst.idx.msk $0xffff, v60  }
0x6a: {  	v63 =	vld.idx.msk [tilespmem:v0+s30+$0x260 ss:$0x1], $0xffff;
	[tilespmem:v0+s4+$0x420 ss:$0x1] =	vst.idx.msk $0xffff, v61  }
0x6b: {  	[tilespmem:v0+s4+$0x40 ss:$0x1] =	vst.idx.msk $0xffff, v2;
	v2 =	vld.idx.msk [tilespmem:v0+s30+$0x230 ss:$0x1], $0xffff  }
0x6c: {  	s28 =	sadd.s32 $0x1, s28;
	[tilespmem:v0+s4+$0x70 ss:$0x1] =	vst.idx.msk $0xffff, v3;
	v3 =	vld.idx.msk [tilespmem:v0+s30+$0x0 ss:$0x1], $0xffff  }
0x6d: {  	p2 =	sne.s32 s28, $0x8;
	[tilespmem:v0+s4+$0x60 ss:$0x1] =	vst.idx.msk $0xffff, v1;
	v1 =	vld.idx.msk [tilespmem:v0+s30+$0x250 ss:$0x1], $0xffff  }
.Ltmp4:
0x6e: {  	[tilespmem:v0+s4+$0x440 ss:$0x1] =	vst.idx.msk $0xffff, v62;
	(pc) =	sbr.rel @p2 .LBB1_4-.Ltmp4, $4  }
0x6f: {  	[tilespmem:v0+s4+$0x460 ss:$0x1] =	vst.idx.msk $0xffff, v63  }
0x70: {  	[tilespmem:v0+s4+$0x430 ss:$0x1] =	vst.idx.msk $0xffff, v2  }
0x71: {  	s27 =	sadd.s32 $0x400, s27;
	[tilespmem:v0+s4+$0x0 ss:$0x1] =	vst.idx.msk $0xffff, v3  }
0x72: {  	s26 =	sadd.s32 $0x80, s26;
	p1 =	por !p1, !p1;
	s25 =	sadd.s32 $0x80, s25;
	[tilespmem:v0+s4+$0x450 ss:$0x1] =	vst.idx.msk $0xffff, v1  }
.Ltmp5:
0x73: {  	(pc) =	sbr.rel @p0 .LBB1_3-.Ltmp5, $2  }
0x74: {  	_ =	sdelay $0x2  }
0x75: {  	s24 =	simm.s32 $0x2000;
	p1 =	por $0x0, $0x0  }
0x76: {  	s0 =	sshrl.u32 s18, $0x3  }
0x77: {  	s1 =	sshll.u32 s16, $0x3;
	s0 =	smul.u32 $0x1800, s0  }
0x78: {  	s4 =	sshll.u32 s18, $0x7;
	s1 =	sand.u32 $0xFFFFFC00, s1  }
0x79: {  	s25 =	sand.u32 $0x380, s4;
	s0 =	sadd.s32 s0, s1  }
0x7a: {  	s26 =	sand.u32 $0x7F, s16;
	s0 =	sor.u32 s25, s0  }
0x7b: {  	s1 =	sor.u32 s26, s0;
	s0 =	smulhi.u32 $0xAAAAAAAB, s0  }
0x7c: {  	s4 =	smulhi.u32 $0xAAAAAAAB, s1  }
0x7d: {  	s27 =	smul.u32 $0xC00, s17  }
0x7e: {  	s15 =	smul.u32 $0x300, s15;
	s0 =	sshrl.u32 s0, $0x9;
	s4 =	sshrl.u32 s4, $0x9  }
0x7f: {  	s0 =	sand.u32 $0x7, s0;
	s4 =	smul.u32 $0x300, s4  }
0x80: {  	s28 =	rddreg [dreg:$0x1];
	s0 =	smul.u32 $0x60, s0  }
.Ltmp6:
0x81: {  	s1 =	ssub.s32 s1, s4;
	s4 =	sadd.s32 s28, s27;
	(pc) =	sbr.rel .LBB1_9-.Ltmp6, $4  }
0x82: {  	s4 =	sadd.s32 s15, s4;
	s29 =	sand.u32 $0x7, s1  }
0x83: {  	s1 =	sshrl.u32 s1, $0x3;
	s0 =	sadd.s32 s0, s4;
	s30 =	sshll.u32 s29, $0x12  }
0x84: {  	s0 =	sadd.s32 s1, s0;
	s31 =	sor.u32 $0x800, s30  }
0x85: {  	[hbm4b:s0+s31] =	stream.strided.scatter [tilespmem:s19], [sflag:$0x2], $0x4000, s8, s31, $0x38;
	[tilespmem:$0x10000] =	vst v63  }
.LBB1_10:
0x86: {  	_ =	sfence.sel $0x180000  }
0x87: {  	s0 =	simm.s32 $0x1;
	[bflag:$0x0] =	sbarrier.arrive $0xFFFF  }
0x88: {  	s30 =	simm.s32 $0x2;
	[sflag:s0] =	ssyncpa.u1 $0x1  }
0x89: {  	[sflag:s30] =	ssyncpa.u1 $0x1  }
0x8a: {  	_ =	strace $0x90000047  }
0x8b: {  	s31 =	stileid.u32;
	[bflag:$0x2] =	sbarrier.arrive $0xFFFF  }
0x8c: {  	p0 =	sne.s32 s31, $0x0;
	s0 =	rddreg [dreg:$0x2]  }
0x8d: {  	s0 =	sadd.s32 @!p0 $0x100000, s0  }
0x8e: {  	[sflag:s0] =	ssyncadd.tile.s32 @!p0 $0x1;
	_ =	shalt  }
.Lfunc_end1:
_tile_overlayer_lowered:
.L_overlay_start_2:
0x8f: {  	(tag) =	ssettag $0x2  }
0x90: {  	s0 =	rddreg [dreg:$0x0];
	s2 =	stileid.u32  }
0x91: {  	s1 =	rddreg [dreg:$0x1];
	p0 =	sne.s32 s2, $0x0  }
0x92: {  	s3 =	rddreg [dreg:$0x2];
	[bflag:$0x3] =	sbarrier.arrive $0xFFFF;
	s2 =	simm.s32 @!p0 $0x1C01  }
0x93: {  	[timem:s3], [sflag:s2] =	dma.local @!p0 [hbm:s0], s1  }
0x94: {  	s0 =	simm.s32 @!p0 $0x1  }
0x95: {  	_ =	swait.ge @!p0 [sflag:s0], s1  }
0x96: {  	s1 =	ssub.s32 @!p0 $0x0, s1;
	[sflag:s0] =	ssyncset.done @!p0 $0x0  }
0x97: {  	[sflag:s0] =	ssyncadd.s32 @!p0 s1  }
0x98: {  	[bflag:$0x3] =	sbarrier.arrive $0xFFFF  }
0x99: {  	_ =	shalt  }

</sc_bundles>
